<compile_context>
chip_gen: v7x
topology: tpu7x:2x2x1
jax: 0.10.2.dev20260603
libtpu: 0.0.44.dev20260713+nightly
codegen_flags: <defaults>
</compile_context>

<pallas_src>
import functools

import jax
import jax.numpy as jnp
from jax import lax
from jax.experimental import pallas as pl
from jax.experimental.pallas import tpu as pltpu
from jax.experimental.pallas import tpu_sc as plsc

_B = 4
_NP = 8192
_M = 64
_BLK = 8192
_NOHIT = 4 * _M

_NW = 32
_PPW = (_B * _NP) // _NW
_GRP = _PPW // 16


def _dense_body(pts_ref, boxes_ref, ext_ref, lbl_ref, idx_ref):
    pts = pts_ref[...]
    px = pts[1:2, :]
    py = pts[2:3, :]
    pz = pts[3:4, :]
    b = boxes_ref[0]
    e = ext_ref[0]

    cx = b[:, 0:1]
    cy = b[:, 1:2]
    cz = b[:, 2:3]
    h = b[:, 6:7]
    c = jnp.cos(-h)
    s = jnp.sin(-h)

    sx = px - cx
    sy = py - cy
    sz = pz - cz
    lx = jnp.abs(sx * c - sy * s)
    ly = jnp.abs(sx * s + sy * c)
    az = jnp.abs(sz)

    in_gt = ((lx <= b[:, 3:4] * 0.5)
             & (ly <= b[:, 4:5] * 0.5)
             & (az <= b[:, 5:6] * 0.5))
    in_ex = ((lx <= e[:, 3:4] * 0.5)
             & (ly <= e[:, 4:5] * 0.5)
             & (az <= e[:, 5:6] * 0.5))

    m_col = lax.broadcasted_iota(jnp.int32, (_M, 1), 0)
    enc_const = m_col * 4 + b[:, 7:8].astype(jnp.int32)
    enc = jnp.min(jnp.where(in_gt, enc_const, _NOHIT), axis=0,
                  keepdims=True)
    m_ids = lax.broadcasted_iota(jnp.int32, (_M, _BLK), 0)
    fst_e = jnp.min(jnp.where(in_ex, m_ids, _M), axis=0, keepdims=True)

    fg = enc < _NOHIT
    ig = fg ^ (fst_e < _M)
    fst = enc >> 2
    cls = enc & 3
    idx = jnp.where(fg, fst, -1)
    lbl = jnp.where(fg, cls, jnp.where(ig, -1, 0))

    lbl_ref[...] = lbl
    idx_ref[...] = idx


def _gather_body(idx_hbm, rows_hbm, fgbox_hbm, idx_v, rows_v, fgb_v):
    cid = lax.axis_index("c")
    sid = lax.axis_index("s")
    wid = sid * 2 + cid
    base = wid * _PPW
    bidx = wid // (_NP // _PPW)

    pltpu.sync_copy(idx_hbm.at[pl.ds(base, _PPW)], idx_v)
    pltpu.sync_copy(rows_hbm.at[bidx], rows_v)

    lanes = lax.iota(jnp.int32, 16)

    def group_body(g, _):
        off = g * 16
        iv = idx_v[pl.ds(off, 16)]
        clamped = jnp.maximum(iv, 0)
        pids = off + lanes
        for j in range(8):
            vals = plsc.load_gather(rows_v, [clamped * 8 + j])
            plsc.store_scatter(fgb_v, [pids * 8 + j], vals)
        return 0

    lax.fori_loop(0, _GRP, group_body, 0)

    pltpu.sync_copy(fgb_v, fgbox_hbm.at[pl.ds(base * 8, _PPW * 8)])


def kernel(points, gt_boxes, extend_gt_boxes):
    n = points.shape[0]
    pts_t = jnp.transpose(points, (1, 0))
    ppb = _NP // _BLK
    lbl, idx = pl.pallas_call(
        _dense_body,
        grid=(n // _BLK,),
        in_specs=[
            pl.BlockSpec((4, _BLK), lambda i: (0, i)),
            pl.BlockSpec((1, _M, 8), lambda i: (i // ppb, 0, 0)),
            pl.BlockSpec((1, _M, 8), lambda i: (i // ppb, 0, 0)),
        ],
        out_specs=[
            pl.BlockSpec((1, _BLK), lambda i: (0, i)),
            pl.BlockSpec((1, _BLK), lambda i: (0, i)),
        ],
        out_shape=[
            jax.ShapeDtypeStruct((1, n), jnp.int32),
            jax.ShapeDtypeStruct((1, n), jnp.int32),
        ],
    )(pts_t, gt_boxes, extend_gt_boxes)

    mesh = plsc.VectorSubcoreMesh(core_axis_name="c", subcore_axis_name="s")
    gather = functools.partial(
        pl.kernel,
        mesh=mesh,
        compiler_params=pltpu.CompilerParams(
            needs_layout_passes=False, skip_device_barrier=True),
        out_type=jax.ShapeDtypeStruct((n * 8,), jnp.float32),
        scratch_types=[
            pltpu.VMEM((_PPW,), jnp.int32),
            pltpu.VMEM((_M * 8,), jnp.float32),
            pltpu.VMEM((_PPW * 8,), jnp.float32),
        ],
    )(_gather_body)
    fgbox = gather(idx[0], gt_boxes.reshape(_B, _M * 8))
    return lbl[0], fgbox.reshape(n, 8), idx[0]

# --- scband reference (transcript-rebuilt; emitter-appended) ---
"""Pipeline reference for scband-point-head-template-45870250721654 (READ-ONLY COPY).

The authoritative reference and input builder live on the scoring server;
editing this copy changes nothing except your own understanding.
"""

import jax, jax.numpy as jnp
import numpy as np

B = 4
NP = 8192
M = 64
NUM_CLASS = 3


def setup_inputs(seed: int = 0) -> dict:
    key = jax.random.key(seed)
    k1, k2, k3, k4, k5, k6 = jax.random.split(key, 6)
    xy = jax.random.uniform(k1, (B * NP, 2), minval=-50.0, maxval=50.0)
    z = jax.random.uniform(k2, (B * NP, 1), minval=-3.0, maxval=2.0)
    bidx = jnp.repeat(jnp.arange(B, dtype=jnp.float32), NP)[:, None]
    points = jnp.concatenate([bidx, xy, z], axis=1)
    ctr_xy = jax.random.uniform(k3, (B, M, 2), minval=-40.0, maxval=40.0)
    ctr_z = jax.random.uniform(k4, (B, M, 1), minval=-1.5, maxval=0.5)
    sizes = jax.random.uniform(k5, (B, M, 3), minval=1.5, maxval=5.0)
    heading = jax.random.uniform(k6, (B, M, 1), minval=-np.pi, maxval=np.pi)
    cls = jax.random.randint(jax.random.fold_in(key, 7), (B, M, 1), 1, NUM_CLASS + 1).astype(jnp.float32)
    gt_boxes = jnp.concatenate([ctr_xy, ctr_z, sizes, heading, cls], axis=2)
    extend_gt_boxes = jnp.concatenate([ctr_xy, ctr_z, sizes + 1.0, heading, cls], axis=2)
    return {"points": points, "gt_boxes": gt_boxes, "extend_gt_boxes": extend_gt_boxes}


def _points_in_boxes(pts, boxes_pp):
    # pts: [N,3]; boxes_pp: [N,M,8] (x,y,z,dx,dy,dz,heading,cls), z is box center
    shift = pts[:, None, :] - boxes_pp[:, :, 0:3]
    h = boxes_pp[:, :, 6]
    c = jnp.cos(-h)
    s = jnp.sin(-h)
    lx = shift[:, :, 0] * c - shift[:, :, 1] * s
    ly = shift[:, :, 0] * s + shift[:, :, 1] * c
    in_box = (
        (jnp.abs(lx) <= boxes_pp[:, :, 3] / 2.0)
        & (jnp.abs(ly) <= boxes_pp[:, :, 4] / 2.0)
        & (jnp.abs(shift[:, :, 2]) <= boxes_pp[:, :, 5] / 2.0)
    )
    any_in = in_box.any(axis=1)
    idx = jnp.where(any_in, jnp.argmax(in_box, axis=1), -1)
    return idx


def reference(points, gt_boxes, extend_gt_boxes):
    # Faithful jax version of PointHeadTemplate.assign_stack_targets with
    # set_ignore_flag=True, use_ball_constraint=False, num_class=3.
    bidx = points[:, 0].astype(jnp.int32)
    pts = points[:, 1:4]
    boxes_pp = gt_boxes[bidx]          # gather per-point boxes [N,M,8]
    ext_pp = extend_gt_boxes[bidx]
    box_idxs_of_pts = _points_in_boxes(pts, boxes_pp)
    ext_idxs_of_pts = _points_in_boxes(pts, ext_pp)
    fg_flag = box_idxs_of_pts >= 0
    ignore_flag = fg_flag ^ (ext_idxs_of_pts >= 0)
    idx_clamped = jnp.maximum(box_idxs_of_pts, 0)
    gt_box_of_fg_points = jnp.take_along_axis(boxes_pp, idx_clamped[:, None, None], axis=1)[:, 0, :]
    cls = gt_box_of_fg_points[:, -1].astype(jnp.int32)
    # torch order: labels[ignore]=-1 then labels[fg]=cls, so fg wins
    point_cls_labels = jnp.where(fg_flag, cls, jnp.where(ignore_flag, -1, 0))
    return point_cls_labels, gt_box_of_fg_points, box_idxs_of_pts

if __name__ == "__main__":
    import jax
    _d = setup_inputs()
    print(jax.jit(kernel)(*tuple(_d.values())))

</pallas_src>

<mosaic_0001>
#map = affine_map<(d0, d1) -> (0)>
#map1 = affine_map<(d0, d1) -> (0, 0)>
module attributes {stable_mosaic.version = 14 : i64} {
  func.func @_gather_body(%arg0: i32, %arg1: i32, %arg2: memref<32768xi32, #tpu.memory_space<hbm>>, %arg3: memref<4x512xf32, #tpu.memory_space<hbm>>, %arg4: memref<262144xf32, #tpu.memory_space<hbm>>, %arg5: memref<1024xi32, #tpu.memory_space<vmem>>, %arg6: memref<512xf32, #tpu.memory_space<vmem>>, %arg7: memref<8192xf32, #tpu.memory_space<vmem>>) attributes {dimension_semantics = [#tpu.dimension_semantics<core_parallel>, #tpu.dimension_semantics<subcore_parallel>], iteration_bounds = array<i64: 2, 16>, scalar_prefetch = 0 : i64, scratch_operands = 3 : i64, tpu.core_type = #tpu.core_type<sc_vector_subcore>, window_params = [{transform_indices = #map}, {transform_indices = #map1}, {transform_indices = #map}]} {
    %mul3A = arith.constant 2 : i32
    %mul3A_0 = arith.muli %arg1, %mul3A : i32
    %add3A = arith.addi %mul3A_0, %arg0 : i32
    %mul3A_1 = arith.constant 1024 : i32
    %mul3A_2 = arith.muli %add3A, %mul3A_1 : i32
    %jit3A = arith.constant 8 : i32
    %div3A = arith.divsi %add3A, %jit3A : i32
    %sign3A = arith.constant 0 : i32
    %sign3A_3 = arith.cmpi sgt, %add3A, %sign3A : i32
    %sign3A_4 = arith.extui %sign3A_3 : i1 to i32
    %sign3A_5 = arith.constant 0 : i32
    %sign3A_6 = arith.cmpi slt, %add3A, %sign3A_5 : i32
    %sign3A_7 = arith.extui %sign3A_6 : i1 to i32
    %sign3A_8 = arith.subi %sign3A_4, %sign3A_7 : i32
    %sign3A_9 = arith.constant 0 : i32
    %sign3A_10 = arith.cmpi sgt, %jit3A, %sign3A_9 : i32
    %sign3A_11 = arith.extui %sign3A_10 : i1 to i32
    %sign3A_12 = arith.constant 0 : i32
    %sign3A_13 = arith.cmpi slt, %jit3A, %sign3A_12 : i32
    %sign3A_14 = arith.extui %sign3A_13 : i1 to i32
    %sign3A_15 = arith.subi %sign3A_11, %sign3A_14 : i32
    %ne3A = arith.cmpi ne, %sign3A_8, %sign3A_15 : i32
    %rem3A = arith.remsi %add3A, %jit3A : i32
    %ne3A_16 = arith.constant 0 : i32
    %ne3A_17 = arith.cmpi ne, %rem3A, %ne3A_16 : i32
    %and3A = arith.andi %ne3A, %ne3A_17 : i1
    %sub3A = arith.constant 1 : i32
    %sub3A_18 = arith.subi %div3A, %sub3A : i32
    %select_n3A = arith.select %and3A, %sub3A_18, %div3A : i32
    "tpu.region"() ({
      %run_scoped3A = tpu.sem_alloc : memref<!tpu.dma_semaphore, #tpu.memory_space<semaphore_mem>>
      %dma_start3A = tpu.memref_slice %arg2[%mul3A_2] : memref<32768xi32, #tpu.memory_space<hbm>> -> memref<1024xi32, #tpu.memory_space<hbm>>
      %dma_start3A_27 = tpu.memref_slice %arg2[%mul3A_2] : memref<32768xi32, #tpu.memory_space<hbm>> -> memref<1024xi32, #tpu.memory_space<hbm>>
      tpu.enqueue_dma source(%dma_start3A_27 : memref<1024xi32, #tpu.memory_space<hbm>>) target(%arg5 : memref<1024xi32, #tpu.memory_space<vmem>>) target_semaphore(%run_scoped3A : memref<!tpu.dma_semaphore, #tpu.memory_space<semaphore_mem>>)
      %dma_wait3A = tpu.memref_slice %arg2[%mul3A_2] : memref<32768xi32, #tpu.memory_space<hbm>> -> memref<1024xi32, #tpu.memory_space<hbm>>
      %dma_wait3A_28 = tpu.memref_slice %arg2[%mul3A_2] : memref<32768xi32, #tpu.memory_space<hbm>> -> memref<1024xi32, #tpu.memory_space<hbm>>
      tpu.wait_dma2 semaphore(%run_scoped3A : memref<!tpu.dma_semaphore, #tpu.memory_space<semaphore_mem>>) src(%dma_wait3A_28 : memref<1024xi32, #tpu.memory_space<hbm>>) dst(%arg5 : memref<1024xi32, #tpu.memory_space<vmem>>)
      tpu.yield
    }) : () -> ()
    "tpu.region"() ({
      %run_scoped3A = tpu.sem_alloc : memref<!tpu.dma_semaphore, #tpu.memory_space<semaphore_mem>>
      %dma_start3A = arith.constant 0 : i32
      %dma_start3A_27 = tpu.memref_slice %arg3[%select_n3A, %dma_start3A] : memref<4x512xf32, #tpu.memory_space<hbm>> -> memref<1x512xf32, #tpu.memory_space<hbm>>
      %dma_start3A_28 = tpu.memref_squeeze %dma_start3A_27 : memref<1x512xf32, #tpu.memory_space<hbm>> -> memref<512xf32, #tpu.memory_space<hbm>>
      %dma_start3A_29 = arith.constant 0 : i32
      %dma_start3A_30 = tpu.memref_slice %arg3[%select_n3A, %dma_start3A_29] : memref<4x512xf32, #tpu.memory_space<hbm>> -> memref<1x512xf32, #tpu.memory_space<hbm>>
      %dma_start3A_31 = tpu.memref_squeeze %dma_start3A_30 : memref<1x512xf32, #tpu.memory_space<hbm>> -> memref<512xf32, #tpu.memory_space<hbm>>
      tpu.enqueue_dma source(%dma_start3A_31 : memref<512xf32, #tpu.memory_space<hbm>>) target(%arg6 : memref<512xf32, #tpu.memory_space<vmem>>) target_semaphore(%run_scoped3A : memref<!tpu.dma_semaphore, #tpu.memory_space<semaphore_mem>>)
      %dma_wait3A = arith.constant 0 : i32
      %dma_wait3A_32 = tpu.memref_slice %arg3[%select_n3A, %dma_wait3A] : memref<4x512xf32, #tpu.memory_space<hbm>> -> memref<1x512xf32, #tpu.memory_space<hbm>>
      %dma_wait3A_33 = tpu.memref_squeeze %dma_wait3A_32 : memref<1x512xf32, #tpu.memory_space<hbm>> -> memref<512xf32, #tpu.memory_space<hbm>>
      %dma_wait3A_34 = arith.constant 0 : i32
      %dma_wait3A_35 = tpu.memref_slice %arg3[%select_n3A, %dma_wait3A_34] : memref<4x512xf32, #tpu.memory_space<hbm>> -> memref<1x512xf32, #tpu.memory_space<hbm>>
      %dma_wait3A_36 = tpu.memref_squeeze %dma_wait3A_35 : memref<1x512xf32, #tpu.memory_space<hbm>> -> memref<512xf32, #tpu.memory_space<hbm>>
      tpu.wait_dma2 semaphore(%run_scoped3A : memref<!tpu.dma_semaphore, #tpu.memory_space<semaphore_mem>>) src(%dma_wait3A_36 : memref<512xf32, #tpu.memory_space<hbm>>) dst(%arg6 : memref<512xf32, #tpu.memory_space<vmem>>)
      tpu.yield
    }) : () -> ()
    %iota3A = tpu.iota {dimensions = array<i32: 0>} : vector<16xi32>
    %scan3A = arith.constant 0 : i32
    %scan3A_19 = arith.constant 0 : i32
    %scan3A_20 = arith.constant 64 : i32
    %scan3A_21 = arith.addi %scan3A_19, %scan3A_20 : i32
    %scan3A_22 = arith.constant 1 : i32
    %scan3A_23 = scf.for %scan3A_27 = %scan3A_19 to %scan3A_21 step %scan3A_22 iter_args(%scan3A_28 = %scan3A) -> (i32)  : i32 {
      %mul3A_29 = arith.constant 16 : i32
      %mul3A_30 = arith.muli %scan3A_27, %mul3A_29 : i32
      %get3A = arith.index_cast %mul3A_30 : i32 to index
      %get3A_31 = tpu.vector_load %arg5[%get3A] {strides = array<i32>} : memref<1024xi32, #tpu.memory_space<vmem>>, vector<16xi32>,
      %max3A = arith.constant 0 : i32
      %max3A_32 = vector.broadcast %max3A : i32 to vector<16xi32>
      %max3A_33 = arith.maxsi %get3A_31, %max3A_32 : vector<16xi32>
      %add3A_34 = vector.broadcast %mul3A_30 : i32 to vector<16xi32>
      %add3A_35 = arith.addi %add3A_34, %iota3A : vector<16xi32>
      %mul3A_36 = arith.constant 8 : i32
      %mul3A_37 = vector.broadcast %mul3A_36 : i32 to vector<16xi32>
      %mul3A_38 = arith.muli %max3A_33, %mul3A_37 : vector<16xi32>
      %add3A_39 = arith.constant 0 : i32
      %add3A_40 = vector.broadcast %add3A_39 : i32 to vector<16xi32>
      %add3A_41 = arith.addi %mul3A_38, %add3A_40 : vector<16xi32>
      %gather3A = tpu.vector_load_idx %arg6[%add3A_41] : memref<512xf32, #tpu.memory_space<vmem>>[vector<16xi32>], vector<16xf32>,
      %mul3A_42 = arith.constant 8 : i32
      %mul3A_43 = vector.broadcast %mul3A_42 : i32 to vector<16xi32>
      %mul3A_44 = arith.muli %add3A_35, %mul3A_43 : vector<16xi32>
      %add3A_45 = arith.constant 0 : i32
      %add3A_46 = vector.broadcast %add3A_45 : i32 to vector<16xi32>
      %add3A_47 = arith.addi %mul3A_44, %add3A_46 : vector<16xi32>
      tpu.vector_store_idx %arg7[%add3A_47], %gather3A : memref<8192xf32, #tpu.memory_space<vmem>>[vector<16xi32>], vector<16xf32>,
      %mul3A_48 = arith.constant 8 : i32
      %mul3A_49 = vector.broadcast %mul3A_48 : i32 to vector<16xi32>
      %mul3A_50 = arith.muli %max3A_33, %mul3A_49 : vector<16xi32>
      %add3A_51 = arith.constant 1 : i32
      %add3A_52 = vector.broadcast %add3A_51 : i32 to vector<16xi32>
      %add3A_53 = arith.addi %mul3A_50, %add3A_52 : vector<16xi32>
      %gather3A_54 = tpu.vector_load_idx %arg6[%add3A_53] : memref<512xf32, #tpu.memory_space<vmem>>[vector<16xi32>], vector<16xf32>,
      %mul3A_55 = arith.constant 8 : i32
      %mul3A_56 = vector.broadcast %mul3A_55 : i32 to vector<16xi32>
      %mul3A_57 = arith.muli %add3A_35, %mul3A_56 : vector<16xi32>
      %add3A_58 = arith.constant 1 : i32
      %add3A_59 = vector.broadcast %add3A_58 : i32 to vector<16xi32>
      %add3A_60 = arith.addi %mul3A_57, %add3A_59 : vector<16xi32>
      tpu.vector_store_idx %arg7[%add3A_60], %gather3A_54 : memref<8192xf32, #tpu.memory_space<vmem>>[vector<16xi32>], vector<16xf32>,
      %mul3A_61 = arith.constant 8 : i32
      %mul3A_62 = vector.broadcast %mul3A_61 : i32 to vector<16xi32>
      %mul3A_63 = arith.muli %max3A_33, %mul3A_62 : vector<16xi32>
      %add3A_64 = arith.constant 2 : i32
      %add3A_65 = vector.broadcast %add3A_64 : i32 to vector<16xi32>
      %add3A_66 = arith.addi %mul3A_63, %add3A_65 : vector<16xi32>
      %gather3A_67 = tpu.vector_load_idx %arg6[%add3A_66] : memref<512xf32, #tpu.memory_space<vmem>>[vector<16xi32>], vector<16xf32>,
      %mul3A_68 = arith.constant 8 : i32
      %mul3A_69 = vector.broadcast %mul3A_68 : i32 to vector<16xi32>
      %mul3A_70 = arith.muli %add3A_35, %mul3A_69 : vector<16xi32>
      %add3A_71 = arith.constant 2 : i32
      %add3A_72 = vector.broadcast %add3A_71 : i32 to vector<16xi32>
      %add3A_73 = arith.addi %mul3A_70, %add3A_72 : vector<16xi32>
      tpu.vector_store_idx %arg7[%add3A_73], %gather3A_67 : memref<8192xf32, #tpu.memory_space<vmem>>[vector<16xi32>], vector<16xf32>,
      %mul3A_74 = arith.constant 8 : i32
      %mul3A_75 = vector.broadcast %mul3A_74 : i32 to vector<16xi32>
      %mul3A_76 = arith.muli %max3A_33, %mul3A_75 : vector<16xi32>
      %add3A_77 = arith.constant 3 : i32
      %add3A_78 = vector.broadcast %add3A_77 : i32 to vector<16xi32>
      %add3A_79 = arith.addi %mul3A_76, %add3A_78 : vector<16xi32>
      %gather3A_80 = tpu.vector_load_idx %arg6[%add3A_79] : memref<512xf32, #tpu.memory_space<vmem>>[vector<16xi32>], vector<16xf32>,
      %mul3A_81 = arith.constant 8 : i32
      %mul3A_82 = vector.broadcast %mul3A_81 : i32 to vector<16xi32>
      %mul3A_83 = arith.muli %add3A_35, %mul3A_82 : vector<16xi32>
      %add3A_84 = arith.constant 3 : i32
      %add3A_85 = vector.broadcast %add3A_84 : i32 to vector<16xi32>
      %add3A_86 = arith.addi %mul3A_83, %add3A_85 : vector<16xi32>
      tpu.vector_store_idx %arg7[%add3A_86], %gather3A_80 : memref<8192xf32, #tpu.memory_space<vmem>>[vector<16xi32>], vector<16xf32>,
      %mul3A_87 = arith.constant 8 : i32
      %mul3A_88 = vector.broadcast %mul3A_87 : i32 to vector<16xi32>
      %mul3A_89 = arith.muli %max3A_33, %mul3A_88 : vector<16xi32>
      %add3A_90 = arith.constant 4 : i32
      %add3A_91 = vector.broadcast %add3A_90 : i32 to vector<16xi32>
      %add3A_92 = arith.addi %mul3A_89, %add3A_91 : vector<16xi32>
      %gather3A_93 = tpu.vector_load_idx %arg6[%add3A_92] : memref<512xf32, #tpu.memory_space<vmem>>[vector<16xi32>], vector<16xf32>,
      %mul3A_94 = arith.constant 8 : i32
      %mul3A_95 = vector.broadcast %mul3A_94 : i32 to vector<16xi32>
      %mul3A_96 = arith.muli %add3A_35, %mul3A_95 : vector<16xi32>
      %add3A_97 = arith.constant 4 : i32
      %add3A_98 = vector.broadcast %add3A_97 : i32 to vector<16xi32>
      %add3A_99 = arith.addi %mul3A_96, %add3A_98 : vector<16xi32>
      tpu.vector_store_idx %arg7[%add3A_99], %gather3A_93 : memref<8192xf32, #tpu.memory_space<vmem>>[vector<16xi32>], vector<16xf32>,
      %mul3A_100 = arith.constant 8 : i32
      %mul3A_101 = vector.broadcast %mul3A_100 : i32 to vector<16xi32>
      %mul3A_102 = arith.muli %max3A_33, %mul3A_101 : vector<16xi32>
      %add3A_103 = arith.constant 5 : i32
      %add3A_104 = vector.broadcast %add3A_103 : i32 to vector<16xi32>
      %add3A_105 = arith.addi %mul3A_102, %add3A_104 : vector<16xi32>
      %gather3A_106 = tpu.vector_load_idx %arg6[%add3A_105] : memref<512xf32, #tpu.memory_space<vmem>>[vector<16xi32>], vector<16xf32>,
      %mul3A_107 = arith.constant 8 : i32
      %mul3A_108 = vector.broadcast %mul3A_107 : i32 to vector<16xi32>
      %mul3A_109 = arith.muli %add3A_35, %mul3A_108 : vector<16xi32>
      %add3A_110 = arith.constant 5 : i32
      %add3A_111 = vector.broadcast %add3A_110 : i32 to vector<16xi32>
      %add3A_112 = arith.addi %mul3A_109, %add3A_111 : vector<16xi32>
      tpu.vector_store_idx %arg7[%add3A_112], %gather3A_106 : memref<8192xf32, #tpu.memory_space<vmem>>[vector<16xi32>], vector<16xf32>,
      %mul3A_113 = arith.constant 8 : i32
      %mul3A_114 = vector.broadcast %mul3A_113 : i32 to vector<16xi32>
      %mul3A_115 = arith.muli %max3A_33, %mul3A_114 : vector<16xi32>
      %add3A_116 = arith.constant 6 : i32
      %add3A_117 = vector.broadcast %add3A_116 : i32 to vector<16xi32>
      %add3A_118 = arith.addi %mul3A_115, %add3A_117 : vector<16xi32>
      %gather3A_119 = tpu.vector_load_idx %arg6[%add3A_118] : memref<512xf32, #tpu.memory_space<vmem>>[vector<16xi32>], vector<16xf32>,
      %mul3A_120 = arith.constant 8 : i32
      %mul3A_121 = vector.broadcast %mul3A_120 : i32 to vector<16xi32>
      %mul3A_122 = arith.muli %add3A_35, %mul3A_121 : vector<16xi32>
      %add3A_123 = arith.constant 6 : i32
      %add3A_124 = vector.broadcast %add3A_123 : i32 to vector<16xi32>
      %add3A_125 = arith.addi %mul3A_122, %add3A_124 : vector<16xi32>
      tpu.vector_store_idx %arg7[%add3A_125], %gather3A_119 : memref<8192xf32, #tpu.memory_space<vmem>>[vector<16xi32>], vector<16xf32>,
      %mul3A_126 = arith.constant 8 : i32
      %mul3A_127 = vector.broadcast %mul3A_126 : i32 to vector<16xi32>
      %mul3A_128 = arith.muli %max3A_33, %mul3A_127 : vector<16xi32>
      %add3A_129 = arith.constant 7 : i32
      %add3A_130 = vector.broadcast %add3A_129 : i32 to vector<16xi32>
      %add3A_131 = arith.addi %mul3A_128, %add3A_130 : vector<16xi32>
      %gather3A_132 = tpu.vector_load_idx %arg6[%add3A_131] : memref<512xf32, #tpu.memory_space<vmem>>[vector<16xi32>], vector<16xf32>,
      %mul3A_133 = arith.constant 8 : i32
      %mul3A_134 = vector.broadcast %mul3A_133 : i32 to vector<16xi32>
      %mul3A_135 = arith.muli %add3A_35, %mul3A_134 : vector<16xi32>
      %add3A_136 = arith.constant 7 : i32
      %add3A_137 = vector.broadcast %add3A_136 : i32 to vector<16xi32>
      %add3A_138 = arith.addi %mul3A_135, %add3A_137 : vector<16xi32>
      tpu.vector_store_idx %arg7[%add3A_138], %gather3A_132 : memref<8192xf32, #tpu.memory_space<vmem>>[vector<16xi32>], vector<16xf32>,
      %scan3A_139 = arith.constant 0 : i32
      scf.yield %scan3A_139 : i32
    }
    %scan3A_24 = arith.constant 64 : i32
    %mul3A_25 = arith.constant 8 : i32
    %mul3A_26 = arith.muli %mul3A_2, %mul3A_25 : i32
    "tpu.region"() ({
      %run_scoped3A = tpu.sem_alloc : memref<!tpu.dma_semaphore, #tpu.memory_space<semaphore_mem>>
      %dma_start3A = tpu.memref_slice %arg4[%mul3A_26] : memref<262144xf32, #tpu.memory_space<hbm>> -> memref<8192xf32, #tpu.memory_space<hbm>>
      %dma_start3A_27 = tpu.memref_slice %arg4[%mul3A_26] : memref<262144xf32, #tpu.memory_space<hbm>> -> memref<8192xf32, #tpu.memory_space<hbm>>
      tpu.enqueue_dma source(%arg7 : memref<8192xf32, #tpu.memory_space<vmem>>) target(%dma_start3A_27 : memref<8192xf32, #tpu.memory_space<hbm>>) target_semaphore(%run_scoped3A : memref<!tpu.dma_semaphore, #tpu.memory_space<semaphore_mem>>)
      %dma_wait3A = tpu.memref_slice %arg4[%mul3A_26] : memref<262144xf32, #tpu.memory_space<hbm>> -> memref<8192xf32, #tpu.memory_space<hbm>>
      %dma_wait3A_28 = tpu.memref_slice %arg4[%mul3A_26] : memref<262144xf32, #tpu.memory_space<hbm>> -> memref<8192xf32, #tpu.memory_space<hbm>>
      tpu.wait_dma2 semaphore(%run_scoped3A : memref<!tpu.dma_semaphore, #tpu.memory_space<semaphore_mem>>) src(%arg7 : memref<8192xf32, #tpu.memory_space<vmem>>) dst(%dma_wait3A_28 : memref<8192xf32, #tpu.memory_space<hbm>>)
      tpu.yield
    }) : () -> ()
    return
  }
}

module attributes {stable_mosaic.version = 14 : i64} {
  func.func @_dense_body(%arg0: i32, %arg1: memref<4x8192xf32, #tpu.memory_space<vmem>>, %arg2: memref<1x64x8xf32, #tpu.memory_space<vmem>>, %arg3: memref<1x64x8xf32, #tpu.memory_space<vmem>>, %arg4: memref<1x8192xi32, #tpu.memory_space<vmem>>, %arg5: memref<1x8192xi32, #tpu.memory_space<vmem>>) attributes {dimension_semantics = [#tpu.dimension_semantics<arbitrary>], iteration_bounds = array<i64: 4>, scalar_prefetch = 0 : i64, scratch_operands = 0 : i64, tpu.core_type = #tpu.core_type<tc>, window_params = [{transform_indices = @transform_0, window_bounds = array<i64: 4, 8192>}, {transform_indices = @transform_1, window_bounds = array<i64: 1, 64, 8>}, {transform_indices = @transform_2, window_bounds = array<i64: 1, 64, 8>}, {transform_indices = @transform_3, window_bounds = array<i64: 1, 8192>}, {transform_indices = @transform_4, window_bounds = array<i64: 1, 8192>}]} {
    %get3A = arith.constant 0 : index
    %get3A_0 = arith.constant 0 : index
    %get3A_1 = vector.load %arg1[%get3A, %get3A_0] : memref<4x8192xf32, #tpu.memory_space<vmem>>, vector<4x8192xf32>
    %slice3A = vector.extract_strided_slice %get3A_1 {offsets = [1, 0], sizes = [1, 8192], strides = [1, 1]} : vector<4x8192xf32> to vector<1x8192xf32>
    %slice3A_2 = vector.extract_strided_slice %get3A_1 {offsets = [2, 0], sizes = [1, 8192], strides = [1, 1]} : vector<4x8192xf32> to vector<1x8192xf32>
    %slice3A_3 = vector.extract_strided_slice %get3A_1 {offsets = [3, 0], sizes = [1, 8192], strides = [1, 1]} : vector<4x8192xf32> to vector<1x8192xf32>
    %get3A_4 = arith.constant 0 : index
    %get3A_5 = arith.constant 0 : index
    %get3A_6 = arith.constant 0 : index
    %get3A_7 = vector.load %arg2[%get3A_4, %get3A_5, %get3A_6] : memref<1x64x8xf32, #tpu.memory_space<vmem>>, vector<1x64x8xf32>
    %get3A_8 = vector.shape_cast %get3A_7 : vector<1x64x8xf32> to vector<64x8xf32>
    %get3A_9 = arith.constant 0 : index
    %get3A_10 = arith.constant 0 : index
    %get3A_11 = arith.constant 0 : index
    %get3A_12 = vector.load %arg3[%get3A_9, %get3A_10, %get3A_11] : memref<1x64x8xf32, #tpu.memory_space<vmem>>, vector<1x64x8xf32>
    %get3A_13 = vector.shape_cast %get3A_12 : vector<1x64x8xf32> to vector<64x8xf32>
    %slice3A_14 = vector.extract_strided_slice %get3A_8 {offsets = [0, 0], sizes = [64, 1], strides = [1, 1]} : vector<64x8xf32> to vector<64x1xf32>
    %slice3A_15 = vector.extract_strided_slice %get3A_8 {offsets = [0, 1], sizes = [64, 1], strides = [1, 1]} : vector<64x8xf32> to vector<64x1xf32>
    %slice3A_16 = vector.extract_strided_slice %get3A_8 {offsets = [0, 2], sizes = [64, 1], strides = [1, 1]} : vector<64x8xf32> to vector<64x1xf32>
    %slice3A_17 = vector.extract_strided_slice %get3A_8 {offsets = [0, 6], sizes = [64, 1], strides = [1, 1]} : vector<64x8xf32> to vector<64x1xf32>
    %neg3A = arith.constant 0.000000e+00 : f32
    %neg3A_18 = vector.broadcast %neg3A : f32 to vector<64x1xf32>
    %neg3A_19 = arith.subf %neg3A_18, %slice3A_17 : vector<64x1xf32>
    %cos3A = math.cos %neg3A_19 : vector<64x1xf32>
    %neg3A_20 = arith.constant 0.000000e+00 : f32
    %neg3A_21 = vector.broadcast %neg3A_20 : f32 to vector<64x1xf32>
    %neg3A_22 = arith.subf %neg3A_21, %slice3A_17 : vector<64x1xf32>
    %sin3A = math.sin %neg3A_22 : vector<64x1xf32>
    %sub3A = vector.broadcast %slice3A : vector<1x8192xf32> to vector<64x8192xf32>
    %sub3A_23 = vector.broadcast %slice3A_14 : vector<64x1xf32> to vector<64x8192xf32>
    %sub3A_24 = arith.subf %sub3A, %sub3A_23 : vector<64x8192xf32>
    %sub3A_25 = vector.broadcast %slice3A_2 : vector<1x8192xf32> to vector<64x8192xf32>
    %sub3A_26 = vector.broadcast %slice3A_15 : vector<64x1xf32> to vector<64x8192xf32>
    %sub3A_27 = arith.subf %sub3A_25, %sub3A_26 : vector<64x8192xf32>
    %sub3A_28 = vector.broadcast %slice3A_3 : vector<1x8192xf32> to vector<64x8192xf32>
    %sub3A_29 = vector.broadcast %slice3A_16 : vector<64x1xf32> to vector<64x8192xf32>
    %sub3A_30 = arith.subf %sub3A_28, %sub3A_29 : vector<64x8192xf32>
    %mul3A = vector.broadcast %cos3A : vector<64x1xf32> to vector<64x8192xf32>
    %mul3A_31 = arith.mulf %sub3A_24, %mul3A : vector<64x8192xf32>
    %mul3A_32 = vector.broadcast %sin3A : vector<64x1xf32> to vector<64x8192xf32>
    %mul3A_33 = arith.mulf %sub3A_27, %mul3A_32 : vector<64x8192xf32>
    %sub3A_34 = arith.subf %mul3A_31, %mul3A_33 : vector<64x8192xf32>
    %abs3A = math.absf %sub3A_34 : vector<64x8192xf32>
    %mul3A_35 = vector.broadcast %sin3A : vector<64x1xf32> to vector<64x8192xf32>
    %mul3A_36 = arith.mulf %sub3A_24, %mul3A_35 : vector<64x8192xf32>
    %mul3A_37 = vector.broadcast %cos3A : vector<64x1xf32> to vector<64x8192xf32>
    %mul3A_38 = arith.mulf %sub3A_27, %mul3A_37 : vector<64x8192xf32>
    %add3A = arith.addf %mul3A_36, %mul3A_38 : vector<64x8192xf32>
    %abs3A_39 = math.absf %add3A : vector<64x8192xf32>
    %abs3A_40 = math.absf %sub3A_30 : vector<64x8192xf32>
    %slice3A_41 = vector.extract_strided_slice %get3A_8 {offsets = [0, 3], sizes = [64, 1], strides = [1, 1]} : vector<64x8xf32> to vector<64x1xf32>
    %mul3A_42 = arith.constant 5.000000e-01 : f32
    %mul3A_43 = vector.broadcast %mul3A_42 : f32 to vector<64x1xf32>
    %mul3A_44 = arith.mulf %slice3A_41, %mul3A_43 : vector<64x1xf32>
    %le3A = vector.broadcast %mul3A_44 : vector<64x1xf32> to vector<64x8192xf32>
    %le3A_45 = arith.cmpf ole, %abs3A, %le3A : vector<64x8192xf32>
    %slice3A_46 = vector.extract_strided_slice %get3A_8 {offsets = [0, 4], sizes = [64, 1], strides = [1, 1]} : vector<64x8xf32> to vector<64x1xf32>
    %mul3A_47 = arith.constant 5.000000e-01 : f32
    %mul3A_48 = vector.broadcast %mul3A_47 : f32 to vector<64x1xf32>
    %mul3A_49 = arith.mulf %slice3A_46, %mul3A_48 : vector<64x1xf32>
    %le3A_50 = vector.broadcast %mul3A_49 : vector<64x1xf32> to vector<64x8192xf32>
    %le3A_51 = arith.cmpf ole, %abs3A_39, %le3A_50 : vector<64x8192xf32>
    %and3A = arith.andi %le3A_45, %le3A_51 : vector<64x8192xi1>
    %slice3A_52 = vector.extract_strided_slice %get3A_8 {offsets = [0, 5], sizes = [64, 1], strides = [1, 1]} : vector<64x8xf32> to vector<64x1xf32>
    %mul3A_53 = arith.constant 5.000000e-01 : f32
    %mul3A_54 = vector.broadcast %mul3A_53 : f32 to vector<64x1xf32>
    %mul3A_55 = arith.mulf %slice3A_52, %mul3A_54 : vector<64x1xf32>
    %le3A_56 = vector.broadcast %mul3A_55 : vector<64x1xf32> to vector<64x8192xf32>
    %le3A_57 = arith.cmpf ole, %abs3A_40, %le3A_56 : vector<64x8192xf32>
    %and3A_58 = arith.andi %and3A, %le3A_57 : vector<64x8192xi1>
    %slice3A_59 = vector.extract_strided_slice %get3A_13 {offsets = [0, 3], sizes = [64, 1], strides = [1, 1]} : vector<64x8xf32> to vector<64x1xf32>
    %mul3A_60 = arith.constant 5.000000e-01 : f32
    %mul3A_61 = vector.broadcast %mul3A_60 : f32 to vector<64x1xf32>
    %mul3A_62 = arith.mulf %slice3A_59, %mul3A_61 : vector<64x1xf32>
    %le3A_63 = vector.broadcast %mul3A_62 : vector<64x1xf32> to vector<64x8192xf32>
    %le3A_64 = arith.cmpf ole, %abs3A, %le3A_63 : vector<64x8192xf32>
    %slice3A_65 = vector.extract_strided_slice %get3A_13 {offsets = [0, 4], sizes = [64, 1], strides = [1, 1]} : vector<64x8xf32> to vector<64x1xf32>
    %mul3A_66 = arith.constant 5.000000e-01 : f32
    %mul3A_67 = vector.broadcast %mul3A_66 : f32 to vector<64x1xf32>
    %mul3A_68 = arith.mulf %slice3A_65, %mul3A_67 : vector<64x1xf32>
    %le3A_69 = vector.broadcast %mul3A_68 : vector<64x1xf32> to vector<64x8192xf32>
    %le3A_70 = arith.cmpf ole, %abs3A_39, %le3A_69 : vector<64x8192xf32>
    %and3A_71 = arith.andi %le3A_64, %le3A_70 : vector<64x8192xi1>
    %slice3A_72 = vector.extract_strided_slice %get3A_13 {offsets = [0, 5], sizes = [64, 1], strides = [1, 1]} : vector<64x8xf32> to vector<64x1xf32>
    %mul3A_73 = arith.constant 5.000000e-01 : f32
    %mul3A_74 = vector.broadcast %mul3A_73 : f32 to vector<64x1xf32>
    %mul3A_75 = arith.mulf %slice3A_72, %mul3A_74 : vector<64x1xf32>
    %le3A_76 = vector.broadcast %mul3A_75 : vector<64x1xf32> to vector<64x8192xf32>
    %le3A_77 = arith.cmpf ole, %abs3A_40, %le3A_76 : vector<64x8192xf32>
    %and3A_78 = arith.andi %and3A_71, %le3A_77 : vector<64x8192xi1>
    %iota3A = tpu.iota {dimensions = array<i32: 0>} : vector<64x1xi32>
    %mul3A_79 = arith.constant 4 : i32
    %mul3A_80 = vector.broadcast %mul3A_79 : i32 to vector<64x1xi32>
    %mul3A_81 = arith.muli %iota3A, %mul3A_80 : vector<64x1xi32>
    %slice3A_82 = vector.extract_strided_slice %get3A_8 {offsets = [0, 7], sizes = [64, 1], strides = [1, 1]} : vector<64x8xf32> to vector<64x1xf32>
    %convert_element_type3A = arith.fptosi %slice3A_82 : vector<64x1xf32> to vector<64x1xi32>
    %add3A_83 = arith.addi %mul3A_81, %convert_element_type3A : vector<64x1xi32>
    %jit3A = arith.constant 256 : i32
    %broadcast_in_dim3A = vector.shape_cast %add3A_83 : vector<64x1xi32> to vector<64x1xi32>
    %broadcast_in_dim3A_84 = vector.broadcast %broadcast_in_dim3A : vector<64x1xi32> to vector<64x8192xi32>
    %broadcast_in_dim3A_85 = vector.broadcast %jit3A : i32 to vector<64x8192xi32>
    %select_n3A = arith.select %and3A_58, %broadcast_in_dim3A_84, %broadcast_in_dim3A_85 : vector<64x8192xi1>, vector<64x8192xi32>
    %reduce_min3A = arith.constant dense<2147483647> : vector<8192xi32>
    %reduce_min3A_86 = vector.multi_reduction <minsi>, %select_n3A, %reduce_min3A [0] : vector<64x8192xi32> to vector<8192xi32>
    %broadcast_in_dim3A_87 = vector.shape_cast %reduce_min3A_86 : vector<8192xi32> to vector<1x8192xi32>
    %iota3A_88 = tpu.iota {dimensions = array<i32: 0>} : vector<64x8192xi32>
    %jit3A_89 = arith.constant 64 : i32
    %broadcast_in_dim3A_90 = vector.broadcast %jit3A_89 : i32 to vector<64x8192xi32>
    %select_n3A_91 = arith.select %and3A_78, %iota3A_88, %broadcast_in_dim3A_90 : vector<64x8192xi1>, vector<64x8192xi32>
    %reduce_min3A_92 = arith.constant dense<2147483647> : vector<8192xi32>
    %reduce_min3A_93 = vector.multi_reduction <minsi>, %select_n3A_91, %reduce_min3A_92 [0] : vector<64x8192xi32> to vector<8192xi32>
    %broadcast_in_dim3A_94 = vector.shape_cast %reduce_min3A_93 : vector<8192xi32> to vector<1x8192xi32>
    %lt3A = arith.constant 256 : i32
    %lt3A_95 = vector.broadcast %lt3A : i32 to vector<1x8192xi32>
    %lt3A_96 = arith.cmpi slt, %broadcast_in_dim3A_87, %lt3A_95 : vector<1x8192xi32>
    %lt3A_97 = arith.constant 64 : i32
    %lt3A_98 = vector.broadcast %lt3A_97 : i32 to vector<1x8192xi32>
    %lt3A_99 = arith.cmpi slt, %broadcast_in_dim3A_94, %lt3A_98 : vector<1x8192xi32>
    %xor3A = arith.xori %lt3A_96, %lt3A_99 : vector<1x8192xi1>
    %shift_right_arithmetic3A = arith.constant 2 : i32
    %shift_right_arithmetic3A_100 = vector.broadcast %shift_right_arithmetic3A : i32 to vector<1x8192xi32>
    %shift_right_arithmetic3A_101 = arith.shrsi %broadcast_in_dim3A_87, %shift_right_arithmetic3A_100 : vector<1x8192xi32>
    %and3A_102 = arith.constant 3 : i32
    %and3A_103 = vector.broadcast %and3A_102 : i32 to vector<1x8192xi32>
    %and3A_104 = arith.andi %broadcast_in_dim3A_87, %and3A_103 : vector<1x8192xi32>
    %jit3A_105 = arith.constant -1 : i32
    %broadcast_in_dim3A_106 = vector.broadcast %jit3A_105 : i32 to vector<1x8192xi32>
    %select_n3A_107 = arith.select %lt3A_96, %shift_right_arithmetic3A_101, %broadcast_in_dim3A_106 : vector<1x8192xi1>, vector<1x8192xi32>
    %jit3A_108 = arith.constant -1 : i32
    %jit3A_109 = arith.constant 0 : i32
    %broadcast_in_dim3A_110 = vector.broadcast %jit3A_108 : i32 to vector<1x8192xi32>
    %broadcast_in_dim3A_111 = vector.broadcast %jit3A_109 : i32 to vector<1x8192xi32>
    %select_n3A_112 = arith.select %xor3A, %broadcast_in_dim3A_110, %broadcast_in_dim3A_111 : vector<1x8192xi1>, vector<1x8192xi32>
    %select_n3A_113 = arith.select %lt3A_96, %and3A_104, %select_n3A_112 : vector<1x8192xi1>, vector<1x8192xi32>
    %swap3A = arith.constant 0 : index
    %swap3A_114 = arith.constant 0 : index
    %swap3A_115 = vector.load %arg4[%swap3A, %swap3A_114] : memref<1x8192xi32, #tpu.memory_space<vmem>>, vector<1x8192xi32>
    tpu.vector_store %arg4[%swap3A, %swap3A_114], %select_n3A_113 {strides = array<i32>} : memref<1x8192xi32, #tpu.memory_space<vmem>>, vector<1x8192xi32>,
    %swap3A_116 = arith.constant 0 : index
    %swap3A_117 = arith.constant 0 : index
    %swap3A_118 = vector.load %arg5[%swap3A_116, %swap3A_117] : memref<1x8192xi32, #tpu.memory_space<vmem>>, vector<1x8192xi32>
    tpu.vector_store %arg5[%swap3A_116, %swap3A_117], %select_n3A_107 {strides = array<i32>} : memref<1x8192xi32, #tpu.memory_space<vmem>>, vector<1x8192xi32>,
    return
  }
  func.func @transform_0(%arg0: i32) -> (i32, i32) {
    %c0_i32 = arith.constant 0 : i32
    %c0_i32_0 = arith.constant 0 : i32
    return %c0_i32, %arg0 : i32, i32
  }
  func.func @transform_1(%arg0: i32) -> (i32, i32, i32) {
    %jit3A = arith.constant 1 : i32
    %div3A = arith.divsi %arg0, %jit3A : i32
    %sign3A = arith.constant 0 : i32
    %sign3A_0 = arith.cmpi sgt, %arg0, %sign3A : i32
    %sign3A_1 = arith.extui %sign3A_0 : i1 to i32
    %sign3A_2 = arith.constant 0 : i32
    %sign3A_3 = arith.cmpi slt, %arg0, %sign3A_2 : i32
    %sign3A_4 = arith.extui %sign3A_3 : i1 to i32
    %sign3A_5 = arith.subi %sign3A_1, %sign3A_4 : i32
    %sign3A_6 = arith.constant 0 : i32
    %sign3A_7 = arith.cmpi sgt, %jit3A, %sign3A_6 : i32
    %sign3A_8 = arith.extui %sign3A_7 : i1 to i32
    %sign3A_9 = arith.constant 0 : i32
    %sign3A_10 = arith.cmpi slt, %jit3A, %sign3A_9 : i32
    %sign3A_11 = arith.extui %sign3A_10 : i1 to i32
    %sign3A_12 = arith.subi %sign3A_8, %sign3A_11 : i32
    %ne3A = arith.cmpi ne, %sign3A_5, %sign3A_12 : i32
    %rem3A = arith.remsi %arg0, %jit3A : i32
    %ne3A_13 = arith.constant 0 : i32
    %ne3A_14 = arith.cmpi ne, %rem3A, %ne3A_13 : i32
    %and3A = arith.andi %ne3A, %ne3A_14 : i1
    %sub3A = arith.constant 1 : i32
    %sub3A_15 = arith.subi %div3A, %sub3A : i32
    %select_n3A = arith.select %and3A, %sub3A_15, %div3A : i32
    %c0_i32 = arith.constant 0 : i32
    %c0_i32_16 = arith.constant 0 : i32
    %c0_i32_17 = arith.constant 0 : i32
    return %select_n3A, %c0_i32, %c0_i32_16 : i32, i32, i32
  }
  func.func @transform_2(%arg0: i32) -> (i32, i32, i32) {
    %jit3A = arith.constant 1 : i32
    %div3A = arith.divsi %arg0, %jit3A : i32
    %sign3A = arith.constant 0 : i32
    %sign3A_0 = arith.cmpi sgt, %arg0, %sign3A : i32
    %sign3A_1 = arith.extui %sign3A_0 : i1 to i32
    %sign3A_2 = arith.constant 0 : i32
    %sign3A_3 = arith.cmpi slt, %arg0, %sign3A_2 : i32
    %sign3A_4 = arith.extui %sign3A_3 : i1 to i32
    %sign3A_5 = arith.subi %sign3A_1, %sign3A_4 : i32
    %sign3A_6 = arith.constant 0 : i32
    %sign3A_7 = arith.cmpi sgt, %jit3A, %sign3A_6 : i32
    %sign3A_8 = arith.extui %sign3A_7 : i1 to i32
    %sign3A_9 = arith.constant 0 : i32
    %sign3A_10 = arith.cmpi slt, %jit3A, %sign3A_9 : i32
    %sign3A_11 = arith.extui %sign3A_10 : i1 to i32
    %sign3A_12 = arith.subi %sign3A_8, %sign3A_11 : i32
    %ne3A = arith.cmpi ne, %sign3A_5, %sign3A_12 : i32
    %rem3A = arith.remsi %arg0, %jit3A : i32
    %ne3A_13 = arith.constant 0 : i32
    %ne3A_14 = arith.cmpi ne, %rem3A, %ne3A_13 : i32
    %and3A = arith.andi %ne3A, %ne3A_14 : i1
    %sub3A = arith.constant 1 : i32
    %sub3A_15 = arith.subi %div3A, %sub3A : i32
    %select_n3A = arith.select %and3A, %sub3A_15, %div3A : i32
    %c0_i32 = arith.constant 0 : i32
    %c0_i32_16 = arith.constant 0 : i32
    %c0_i32_17 = arith.constant 0 : i32
    return %select_n3A, %c0_i32, %c0_i32_16 : i32, i32, i32
  }
  func.func @transform_3(%arg0: i32) -> (i32, i32) {
    %c0_i32 = arith.constant 0 : i32
    %c0_i32_0 = arith.constant 0 : i32
    return %c0_i32, %arg0 : i32, i32
  }
  func.func @transform_4(%arg0: i32) -> (i32, i32) {
    %c0_i32 = arith.constant 0 : i32
    %c0_i32_0 = arith.constant 0 : i32
    return %c0_i32, %arg0 : i32, i32
  }
}

</mosaic_0001>

<sc_bundles>
// kernel: kernel.4.cloned.1.call-start
scs
__scs_entry_jumppad:
0x0: {  	(pc) =	sbr.rel $0x88, $3  }
0x1: {  	(tag) =	ssettag $0x0;
	lr =	simm.s32 $0x1  }
0x2: {  	[smem:$0x3F9E] =	sst lr;
	_ =	strace $0xD0000000  }
0x3: {  	_ = 	snop  }
0x4: {  	_ = 	snop  }
0x5: {  	_ = 	snop  }
0x6: {  	_ = 	snop  }
0x7: {  	_ = 	snop  }
__scs_overlays_trampoline_lowered:
0x8: {  	[smem:$0x3FAD] =	sst s0  }
0x9: {  	[smem:$0x3FAE] =	sst s1  }
0xa: {  	[smem:$0x3FAF] =	sst s2  }
0xb: {  	[smem:$0x3FB0] =	sst s3  }
0xc: {  	[smem:$0x3FB1] =	sst s4  }
0xd: {  	[smem:$0x3FB2] =	sst s5  }
0xe: {  	[smem:$0x3FB3] =	sst s6  }
0xf: {  	[smem:$0x3FB4] =	sst s7  }
0x10: {  	[smem:$0x3FB5] =	sst s8  }
0x11: {  	[smem:$0x3FB6] =	sst s9;
	s0 =	simm.s32 @!p0 $0x0  }
0x12: {  	s1 =	sld [smem:$0x3F9C];
	s0 =	simm.s32 @p0 $0x1  }
0x13: {  	[smem:$0x3FB7] =	sst s0;
	s0 =	simm.s32 @!p1 $0x0  }
0x14: {  	s2 =	sld [smem:$0x3F9B];
	s0 =	simm.s32 @p1 $0x1  }
0x15: {  	[smem:$0x3FB8] =	sst s0;
	s0 =	simm.s32 @!p2 $0x0  }
0x16: {  	s3 =	sld [smem:$0x3FDB];
	s0 =	simm.s32 @p2 $0x1  }
0x17: {  	s4 =	simm.s32 $0x1BF5;
	[smem:$0x3FBA] =	sst s0  }
0x18: {  	s0 =	sld [smem:$0x3F9D];
	_ =	swait.ge [sflag:s4], $0x0  }
0x19: {  	s7 =	sld [smem:$0x3F9E]  }
0x1a: {  	s8 =	sadd.s32 $0xFFFFE003, lr  }
0x1b: {  	s9 =	sadd.s32 $0xFFFFFEF7, lr;
	s5 =	simm.s32 $0xFFFFFFFF;
	p2 =	slt.u32 s8, $0xFFFFF086  }
0x1c: {  	p1 =	slt.u32 s9, $0xF7A;
	s5 =	simm.s32 @!p2 $0x0  }
0x1d: {  	s5 =	simm.s32 @p1 $0x1;
	p0 =	seq.s32 s7, s2  }
0x1e: {  	s7 =	smul.u32 @!p0 $0xF7A, s2;
	p2 =	seq.s32 @!p0 s5, $0x0  }
0x1f: {  	s9 =	smul.u32 $0xF7A, s1;
	s8 =	simm.s32 @!p0 $0x1BF5;
	p2 =	por !p2, p0  }
0x20: {  	[sflag:s8] =	ssyncset.s32 @!p0 $0xFFFFF086;
	s6 =	sadd.s32 @!p0 s3, s7;
	s7 =	simm.s32 @!p0 $0x108  }
0x21: {  	s3 =	sadd.s32 s3, s9;
	s6 =	sadd.s32 @!p0 $0x88, s6;
	s7 =	simm.s32 @p2 $0x1082  }
0x22: {  	[simem:s7], [sflag:s8] =	dma.local @!p0 [hbm:s6], $0xF7A  }
0x23: {  	s9 =	sor.u32 $0xD0000000, s2;
	s6 =	simm.s32 $0x108;
	_ =	swait.ge @!p0 [sflag:s8], $0x0  }
0x24: {  	s3 =	sadd.s32 $0x88, s3;
	s6 =	simm.s32 @!p1 $0x1082;
	[sflag:s4] =	ssyncset.s32 $0xFFFFF086  }
0x25: {  	[simem:s6], [sflag:s4] =	dma.local [hbm:s3], $0xF7A  }
0x26: {  	[smem:$0x3F9E] =	sst s1;
	(tag) =	ssettag s2;
	_ =	strace s9  }
0x27: {  	s1 =	sld [smem:$0x3FAE]  }
0x28: {  	s2 =	sld [smem:$0x3FAF]  }
0x29: {  	s4 =	sld [smem:$0x3FB1]  }
0x2a: {  	p0 =	seq.s32 s5, $0x0;
	s5 =	sld [smem:$0x3FB2]  }
0x2b: {  	s6 =	sld [smem:$0x3FB3]  }
0x2c: {  	s7 =	sld [smem:$0x3FB4]  }
0x2d: {  	s3 =	simm.s32 $0x108;
	s8 =	sld [smem:$0x3FB5]  }
0x2e: {  	s3 =	simm.s32 @!p0 $0x1082;
	s9 =	sld [smem:$0x3FB6]  }
0x2f: {  	lr =	sadd.s32 s0, s3;
	s0 =	sld [smem:$0x3FAD]  }
0x30: {  	s3 =	sld [smem:$0x3FB0]  }
0x31: {  	[smem:$0x3FB9] =	sst s10  }
0x32: {  	s10 =	sld [smem:$0x3FB7];
	_ =	sdelay $0x3  }
0x33: {  	p0 =	seq.s32 s10, $0x1;
	s10 =	sld [smem:$0x3FB9];
	_ =	sdelay $0x3  }
0x34: {  	[smem:$0x3FB9] =	sst s10  }
0x35: {  	s10 =	sld [smem:$0x3FB8];
	_ =	sdelay $0x3  }
0x36: {  	p1 =	seq.s32 s10, $0x1;
	s10 =	sld [smem:$0x3FB9];
	_ =	sdelay $0x3  }
0x37: {  	[smem:$0x3FB9] =	sst s10  }
0x38: {  	s10 =	sld [smem:$0x3FBA]  }
0x39: {  	_ = 	snop;
	(pc) =	sbr.ind lr, $3  }
0x3a: {  	_ = 	snop  }
0x3b: {  	_ = 	snop  }
0x3c: {  	p2 =	seq.s32 s10, $0x1;
	s10 =	sld [smem:$0x3FB9]  }
0x3d: {  	_ =	shalt  }
0x3e: {  	_ =	shalt  }
0x3f: {  	_ =	shalt  }
0x40: {  	_ =	shalt  }
0x41: {  	_ =	shalt  }
0x42: {  	_ =	shalt  }
0x43: {  	_ =	shalt  }
0x44: {  	_ =	shalt  }
0x45: {  	_ =	shalt  }
0x46: {  	_ =	shalt  }
0x47: {  	_ =	shalt  }
0x48: {  	_ =	shalt  }
0x49: {  	_ =	shalt  }
0x4a: {  	_ =	shalt  }
0x4b: {  	_ =	shalt  }
0x4c: {  	_ =	shalt  }
0x4d: {  	_ =	shalt  }
0x4e: {  	_ =	shalt  }
0x4f: {  	_ =	shalt  }
0x50: {  	_ =	shalt  }
0x51: {  	_ =	shalt  }
0x52: {  	_ =	shalt  }
0x53: {  	_ =	shalt  }
0x54: {  	_ =	shalt  }
0x55: {  	_ =	shalt  }
0x56: {  	_ =	shalt  }
0x57: {  	_ =	shalt  }
0x58: {  	_ =	shalt  }
0x59: {  	_ =	shalt  }
0x5a: {  	_ =	shalt  }
0x5b: {  	_ =	shalt  }
0x5c: {  	_ =	shalt  }
0x5d: {  	_ =	shalt  }
0x5e: {  	_ =	shalt  }
0x5f: {  	_ =	shalt  }
0x60: {  	_ =	shalt  }
0x61: {  	_ =	shalt  }
0x62: {  	_ =	shalt  }
0x63: {  	_ =	shalt  }
0x64: {  	_ =	shalt  }
0x65: {  	_ =	shalt  }
0x66: {  	_ =	shalt  }
0x67: {  	_ =	shalt  }
0x68: {  	_ =	shalt  }
0x69: {  	_ =	shalt  }
0x6a: {  	_ =	shalt  }
0x6b: {  	_ =	shalt  }
0x6c: {  	_ =	shalt  }
0x6d: {  	_ =	shalt  }
0x6e: {  	_ =	shalt  }
0x6f: {  	_ =	shalt  }
0x70: {  	_ =	shalt  }
0x71: {  	_ =	shalt  }
0x72: {  	_ =	shalt  }
0x73: {  	_ =	shalt  }
0x74: {  	_ =	shalt  }
0x75: {  	_ =	shalt  }
0x76: {  	_ =	shalt  }
0x77: {  	_ =	shalt  }
0x78: {  	_ =	shalt  }
0x79: {  	_ =	shalt  }
0x7a: {  	_ =	shalt  }
0x7b: {  	_ =	shalt  }
0x7c: {  	_ =	shalt  }
0x7d: {  	_ =	shalt  }
0x7e: {  	_ =	shalt  }
0x7f: {  	_ =	shalt  }
0x80: {  	_ =	shalt  }
0x81: {  	_ =	shalt  }
0x82: {  	_ =	shalt  }
0x83: {  	_ =	shalt  }
0x84: {  	_ =	shalt  }
0x85: {  	_ =	shalt  }
0x86: {  	_ =	shalt  }
0x87: {  	_ =	shalt  }
.Lfunc_end0:
.L_simem_size_0:
called_computation_lowered:
.L_overlay_start_0:
0x88: {  	s2 =	sld [smem:$0x3FD9]  }
0x89: {  	s3 =	sld [smem:$0x3FFE];
	_ =	sdelay $0x1  }
0x8a: {  	s1 =	srdreg.scid  }
0x8b: {  	s0 =	sand.u32 $0x1, s1  }
0x8c: {  	s14 =	sshll.u32 s0, $0xA;
	s2 =	sadd.s32 s3, s2  }
0x8d: {  	s2 =	sadd.s32 s2, s14  }
0x8e: {  	[smem:$0x3FC5] =	sst s2  }
0x8f: {  	_ = 	snop  }
0x90: {  	s2 =	sld [smem:$0x3FD0];
	_ =	sdelay $0x2  }
0x91: {  	s15 =	simm.s32 $0xA;
	s4 =	simm.s32 $0x10  }
0x92: {  	[smem:s4], [sflag:s15] =	dma.local [hbm:s2], $0x1  }
0x93: {  	_ =	swait.eq [sflag:s15], $0x1  }
0x94: {  	[sflag:s15] =	ssyncset.done $0x0  }
0x95: {  	s16 =	sld [smem:$0x11];
	[sflag:s15] =	ssyncadd.s32 $0xFFFFFFFF  }
0x96: {  	s17 =	sld [smem:$0x12];
	(tm) =	ssettm $0x1  }
0x97: {  	s18 =	sld [smem:$0x3FFB];
	_ =	sdelay $0x3  }
0x98: {  	_ =	strace s18  }
0x99: {  	s4 =	sld [smem:$0x3FFC];
	_ =	sdelay $0x3  }
0x9a: {  	_ =	strace s4  }
0x9b: {  	s4 =	sld [smem:$0x3FFD];
	_ =	sdelay $0x3  }
0x9c: {  	_ =	strace s4  }
0x9d: {  	_ =	strace $0x8FFFFFFF  }
0x9e: {  	s19 =	sld [smem:$0x3FDB];
	_ =	sdelay $0x1  }
0x9f: {  	s5 =	simm.s32 $_scs_section_size  }
0xa0: {  	s6 =	simm.s32 $_size__tile_overlayer_lowered;
	s7 =	simm.s32 $_tile_overlayer_lowered  }
0xa1: {  	s22 =	simm.s32 $0x1BFF;
	s21 =	sshll.u32 s7, $0x1;
	s4 =	sadd.s32 s5, s19  }
0xa2: {  	s8 =	simm.s32 $0x0;
	s20 =	sshll.u32 s6, $0x1;
	s6 =	sadd.s32 s21, s4  }
0xa3: {  	[timem:s8], [sflag:s22] =	dma.local [hbm:s6], s20  }
0xa4: {  	_ =	swait.ge [sflag:s22], s20  }
0xa5: {  	s5 =	ssub.s32 $0x0, s20;
	[sflag:s22] =	ssyncset.done $0x0  }
0xa6: {  	[sflag:s22] =	ssyncadd.s32 s5;
	_ =	sdelay $0x1  }
0xa7: {  	s23 =	simm.s32 $0x1B8B  }
0xa8: {  	_ =	swait.ge [sflag:s23], $0x1  }
0xa9: {  	[sflag:s23] =	ssyncset.done $0x0  }
0xaa: {  	s25 =	simm.s32 $0x1B8E;
	s24 =	sld [smem:$0x3FFE];
	[sflag:s23] =	ssyncadd.s32 $0xFFFFFFFF  }
0xab: {  	s26 =	simm.s32 $execute0_lowered;
	[smem:$0x3FD2] =	sst s25  }
0xac: {  	s6 =	sshll.u32 s26, $0x1;
	_ =	strace $0x80000046;
	[dreg:$0x1] =	wrdreg $0xFFFFFFFF  }
0xad: {  	s28 =	simm.s32 $_size_execute0_lowered;
	s4 =	sadd.s32 s4, s6;
	[dreg:$0x0] =	wrdreg $0x0  }
0xae: {  	s6 =	sshll.u32 s28, $0x1;
	[dreg:$0x2] =	wrdreg s4  }
0xaf: {  	[dreg:$0x3] =	wrdreg s6  }
0xb0: {  	[dreg:$0x4] =	wrdreg $0xC0  }
0xb1: {  	_ =	task [dreg:s8], $0x5FFFF  }
0xb2: {  	[dreg:$0x1] =	wrdreg $0xFFFFFFFF  }
0xb3: {  	[dreg:$0x0] =	wrdreg $0x60  }
0xb4: {  	[dreg:$0x2] =	wrdreg s17  }
0xb5: {  	[dreg:$0x3] =	wrdreg s24  }
0xb6: {  	[dreg:$0x4] =	wrdreg s16  }
0xb7: {  	[dreg:$0x5] =	wrdreg $0x9  }
0xb8: {  	_ =	task.clear_ibuf [dreg:s8], $0x6FFFF;
	_ =	strace $0x90000046  }
0xb9: {  	s29 =	simm.s32 $0x9;
	_ =	strace $0x80000048  }
0xba: {  	_ =	swait.ge [sflag:s29], $0x1  }
0xbb: {  	[sflag:s29] =	ssyncadd.s32 $0xFFFFFFFF  }
0xbc: {  	_ =	strace $0x90000048  }
0xbd: {  	_ =	sfence  }
0xbe: {  	s30 =	sld [smem:$0x0];
	_ =	sdelay $0x2  }
0xbf: {  	s31 =	sshll.u32 s1, $0xD;
	s1 =	sshrl.u32 s1, $0x2  }
0xc0: {  	s3 =	sand.u32 $0x4000, s31;
	s1 =	sadd.s32 s1, s30  }
0xc1: {  	s0 =	sor.u32 s3, s0;
	s1 =	sshll.u32 s1, $0x11  }
0xc2: {  	s0 =	sor.u32 s1, s0  }
0xc3: {  	s0 =	sadd.s32 $0x8F2B, s0  }
0xc4: {  	[sflag:s0] =	ssyncadd.remote.s32 $0x1  }
0xc5: {  	_ =	sfence.sel $0xFFFF  }
0xc6: {  	[dreg:$0x0] =	wrdreg $0xFFFFFFFF;
	(pc) =	sbr.abs _section_cstart, $3  }
0xc7: {  	[dreg:$0x1] =	wrdreg $0xFFFFFFFF  }
0xc8: {  	_ =	task.clear_ibuf [dreg:s8], $0x2FFFF;
	_ =	strace $0x9FFFFFFF  }
0xc9: {  	(tm) =	ssettm $0x7FFFFFFF  }
tec
execute0_lowered:
.L_overlay_start_1:
0x0: {  	(tag) =	ssettag $0x1  }
0x1: {  	s3 =	rddreg [dreg:$0x0]  }
0x2: {  	s4 =	rddreg [dreg:$0x1]  }
0x3: {  	s5 =	rddreg [dreg:$0x2]  }
0x4: {  	s0 =	rddreg [dreg:$0x3];
	s2 =	simm.s32 $0x0;
	s1 =	stileid.u32  }
0x5: {  	s6 =	srdreg.scid;
	s10 =	simm.s32 $0x400;
	s11 =	simm.s32 $0x600  }
0x6: {  	s12 =	simm.s32 $0x0;
	[smem:$0x7FF] =	sst s2;
	s7 =	sshll.u32 s1, $0x2  }
0x7: {  	s6 =	sand.u32 $0x1, s6;
	s8 =	sshll.u32 s1, $0x1;
	_ =	strace $0x80000047  }
0x8: {  	s7 =	sand.u32 $0x30, s7;
	s9 =	ssub.s32 $0x2, s6;
	s6 =	sor.u32 s6, s8  }
0x9: {  	s4 =	sadd.s32 s7, s4;
	s31 =	sshrl.u32 s9, $0x1;
	s8 =	sshll.u32 s6, $0x7  }
0xa: {  	s6 =	sshll.u32 s6, $0xA;
	s7 =	ssub.s32 s9, s31;
	s3 =	sadd.s32 s3, s8  }
0xb: {  	v0 =	vlaneseq.u32;
	s4 =	sadd.s32 $0x800, s4;
	s5 =	sadd.s32 s5, s6;
	s8 =	simm.s32 $0x80  }
0xc: {  	v0 =	vmul.u32 $0x8, v0;
	s9 =	simm.s32 $0x200;
	s6 =	smax.u32 s7, $0x1;
	s7 =	simm.s32 $0x1  }
.LBB2_1:
0xd: {  	[tilespmem:s2], [sflag:$0x1] =	stream.linear.gather [hbm4b:s3+s2], $0x400, $0x38;
	[tilespmem:$0x2600] =	vst v63  }
0xe: {  	_ =	swait.ge [sflag:s7], $0x400  }
0xf: {  	[sflag:s7] =	ssyncset.done $0x0  }
0x10: {  	[sflag:s7] =	ssyncadd.s32 $0xFFFFFC00  }
0x11: {  	[tilespmem:s10], [sflag:$0x1] =	stream.strided.gather [hbm4b:s4+s8], $0x200, s9, s8, $0x38;
	[tilespmem:$0x2600] =	vst v63  }
0x12: {  	_ =	swait.ge [sflag:s7], $0x200  }
0x13: {  	[sflag:s7] =	ssyncset.done $0x0  }
0x14: {  	[sflag:s7] =	ssyncadd.s32 $0xFFFFFE00  }
0x15: {  	v1 =	vld [tilespmem:s2+$0x0];
	_ =	sdelay $0x4  }
0x16: {  	vm0 =	vgt.s32 v1, $0x0  }
0x17: {  	v1 =	vnsel vm0, $0x0, v1  }
0x18: {  	v1 =	vshll.u32 v1, $0x3;
	_ =	sdelay $0x2  }
0x19: {  	v2 =	vmov s2  }
0x1a: {  	v2 =	vshll.u32 v2, $0x3  }
0x1b: {  	v2 =	vor.u32 v0, v2;
	v3 =	vld.idx.msk [tilespmem:v1+s10+$0x0], $0xffff  }
0x1c: {  	v4 =	vor.u32 $0x1, v1;
	_ =	sdelay $0x3  }
0x1d: {  	[tilespmem:v2+s11+$0x0] =	vst.idx.msk $0xffff, v3  }
0x1e: {  	v54 =	vor.u32 $0x1, v2;
	v3 =	vld.idx.msk [tilespmem:v4+s10+$0x0], $0xffff  }
0x1f: {  	v5 =	vor.u32 $0x2, v1;
	_ =	sdelay $0x3  }
0x20: {  	[tilespmem:v54+s11+$0x0] =	vst.idx.msk $0xffff, v3  }
0x21: {  	v55 =	vor.u32 $0x2, v2;
	v3 =	vld.idx.msk [tilespmem:v5+s10+$0x0], $0xffff  }
0x22: {  	v56 =	vor.u32 $0x3, v1;
	_ =	sdelay $0x3  }
0x23: {  	[tilespmem:v55+s11+$0x0] =	vst.idx.msk $0xffff, v3  }
0x24: {  	v57 =	vor.u32 $0x3, v2;
	v3 =	vld.idx.msk [tilespmem:v56+s10+$0x0], $0xffff  }
0x25: {  	v58 =	vor.u32 $0x4, v1;
	_ =	sdelay $0x3  }
0x26: {  	[tilespmem:v57+s11+$0x0] =	vst.idx.msk $0xffff, v3  }
0x27: {  	v59 =	vor.u32 $0x4, v2;
	v3 =	vld.idx.msk [tilespmem:v58+s10+$0x0], $0xffff  }
0x28: {  	v60 =	vor.u32 $0x5, v1;
	_ =	sdelay $0x3  }
0x29: {  	[tilespmem:v59+s11+$0x0] =	vst.idx.msk $0xffff, v3  }
0x2a: {  	v61 =	vor.u32 $0x5, v2;
	v3 =	vld.idx.msk [tilespmem:v60+s10+$0x0], $0xffff  }
0x2b: {  	v62 =	vor.u32 $0x6, v1;
	_ =	sdelay $0x3  }
0x2c: {  	[tilespmem:v61+s11+$0x0] =	vst.idx.msk $0xffff, v3  }
0x2d: {  	v63 =	vor.u32 $0x6, v2;
	v3 =	vld.idx.msk [tilespmem:v62+s10+$0x0], $0xffff  }
0x2e: {  	v1 =	vor.u32 $0x7, v1;
	_ =	sdelay $0x3  }
0x2f: {  	[tilespmem:v63+s11+$0x0] =	vst.idx.msk $0xffff, v3  }
0x30: {  	s13 =	simm.s32 $0x10;
	s14 =	simm.s32 $0x0;
	v2 =	vor.u32 $0x7, v2;
	v1 =	vld.idx.msk [tilespmem:v1+s10+$0x0], $0xffff  }
.LBB2_2:
0x31: {  	_ =	sdelay $0x2  }
0x32: {  	p0 =	sne.s32 s13, $0x3F0  }
0x33: {  	s14 =	sadd.s32 $0x10, s14;
	s15 =	smov.u32 s13;
	s13 =	sadd.s32 $0x10, s13;
	[tilespmem:v2+s11+$0x0] =	vst.idx.msk $0xffff, v1  }
0x34: {  	v1 =	vld [tilespmem:s14+$0x0];
	_ =	sdelay $0x4  }
0x35: {  	vm0 =	vgt.s32 v1, $0x0  }
0x36: {  	v1 =	vnsel vm0, $0x0, v1  }
0x37: {  	v1 =	vshll.u32 v1, $0x3;
	_ =	sdelay $0x3  }
0x38: {  	v2 =	vmov s15  }
0x39: {  	v2 =	vshll.u32 v2, $0x3;
	v3 =	vld.idx.msk [tilespmem:v1+s10+$0x0], $0xffff  }
0x3a: {  	v2 =	vor.u32 v0, v2  }
0x3b: {  	v4 =	vor.u32 $0x1, v1;
	_ =	sdelay $0x3  }
0x3c: {  	[tilespmem:v2+s11+$0x0] =	vst.idx.msk $0xffff, v3  }
0x3d: {  	v3 =	vld.idx.msk [tilespmem:v4+s10+$0x0], $0xffff  }
0x3e: {  	v4 =	vor.u32 $0x1, v2  }
0x3f: {  	v5 =	vor.u32 $0x2, v1;
	_ =	sdelay $0x3  }
0x40: {  	[tilespmem:v4+s11+$0x0] =	vst.idx.msk $0xffff, v3  }
0x41: {  	v3 =	vld.idx.msk [tilespmem:v5+s10+$0x0], $0xffff  }
0x42: {  	v4 =	vor.u32 $0x2, v2  }
0x43: {  	v5 =	vor.u32 $0x3, v1;
	_ =	sdelay $0x3  }
0x44: {  	[tilespmem:v4+s11+$0x0] =	vst.idx.msk $0xffff, v3  }
0x45: {  	v3 =	vld.idx.msk [tilespmem:v5+s10+$0x0], $0xffff  }
0x46: {  	v4 =	vor.u32 $0x3, v2  }
0x47: {  	v5 =	vor.u32 $0x4, v1;
	_ =	sdelay $0x3  }
0x48: {  	[tilespmem:v4+s11+$0x0] =	vst.idx.msk $0xffff, v3  }
0x49: {  	v3 =	vld.idx.msk [tilespmem:v5+s10+$0x0], $0xffff  }
0x4a: {  	v4 =	vor.u32 $0x4, v2  }
0x4b: {  	v5 =	vor.u32 $0x5, v1;
	_ =	sdelay $0x3  }
0x4c: {  	[tilespmem:v4+s11+$0x0] =	vst.idx.msk $0xffff, v3  }
0x4d: {  	v3 =	vld.idx.msk [tilespmem:v5+s10+$0x0], $0xffff  }
0x4e: {  	v4 =	vor.u32 $0x5, v2  }
0x4f: {  	v5 =	vor.u32 $0x6, v1;
	_ =	sdelay $0x3  }
0x50: {  	[tilespmem:v4+s11+$0x0] =	vst.idx.msk $0xffff, v3  }
0x51: {  	v3 =	vld.idx.msk [tilespmem:v5+s10+$0x0], $0xffff  }
0x52: {  	v4 =	vor.u32 $0x6, v2  }
0x53: {  	v1 =	vor.u32 $0x7, v1;
	_ =	sdelay $0x1  }
.Ltmp0:
0x54: {  	(pc) =	sbr.rel @p0 .LBB2_2-.Ltmp0, $4  }
0x55: {  	_ = 	snop  }
0x56: {  	[tilespmem:v4+s11+$0x0] =	vst.idx.msk $0xffff, v3  }
0x57: {  	v1 =	vld.idx.msk [tilespmem:v1+s10+$0x0], $0xffff  }
0x58: {  	v2 =	vor.u32 $0x7, v2  }
0x59: {  	_ =	sdelay $0x1  }
0x5a: {  	s12 =	sadd.s32 $0x1, s12  }
0x5b: {  	p0 =	sne.s32 s12, s6  }
.Ltmp1:
0x5c: {  	[tilespmem:v2+s11+$0x0] =	vst.idx.msk $0xffff, v1;
	(pc) =	sbr.rel @p0 .LBB2_1-.Ltmp1, $4  }
0x5d: {  	[hbm4b:s5+s2] =	stream.linear.scatter [tilespmem:s11], [sflag:$0x1], $0x2000, $0x38;
	[tilespmem:$0x2600] =	vst v63  }
0x5e: {  	_ =	swait.ge [sflag:s7], $0x2000  }
0x5f: {  	[sflag:s7] =	ssyncset.done $0x0  }
0x60: {  	[sflag:s7] =	ssyncadd.s32 $0xFFFFE000  }
0x61: {  	_ =	sfence.sel $0x180000  }
0x62: {  	[bflag:$0x0] =	sbarrier.arrive $0xFFFF  }
0x63: {  	p0 =	sne.s32 s1, $0x0;
	_ =	strace $0x90000047  }
0x64: {  	s0 =	sadd.s32 @!p0 $0x100000, s0;
	[bflag:$0x2] =	sbarrier.arrive $0xFFFF  }
0x65: {  	[sflag:s0] =	ssyncadd.tile.s32 @!p0 $0x1;
	_ =	shalt  }
.Lfunc_end2:
_tile_overlayer_lowered:
.L_overlay_start_2:
0x66: {  	(tag) =	ssettag $0x2  }
0x67: {  	s0 =	rddreg [dreg:$0x0];
	s2 =	stileid.u32  }
0x68: {  	s1 =	rddreg [dreg:$0x1];
	p0 =	sne.s32 s2, $0x0  }
0x69: {  	s3 =	rddreg [dreg:$0x2];
	[bflag:$0x3] =	sbarrier.arrive $0xFFFF;
	s2 =	simm.s32 @!p0 $0x1C01  }
0x6a: {  	[timem:s3], [sflag:s2] =	dma.local @!p0 [hbm:s0], s1  }
0x6b: {  	s0 =	simm.s32 @!p0 $0x1  }
0x6c: {  	_ =	swait.ge @!p0 [sflag:s0], s1  }
0x6d: {  	s1 =	ssub.s32 @!p0 $0x0, s1;
	[sflag:s0] =	ssyncset.done @!p0 $0x0  }
0x6e: {  	[sflag:s0] =	ssyncadd.s32 @!p0 s1  }
0x6f: {  	[bflag:$0x3] =	sbarrier.arrive $0xFFFF  }
0x70: {  	_ =	shalt  }

</sc_bundles>
